<compile_context>
chip_gen: v7x
topology: tpu7x:2x2x1
jax: 0.10.2.dev20260603
libtpu: 0.0.44.dev20260713+nightly
codegen_flags: <defaults>
</compile_context>

<pallas_src>
import functools

import jax
import jax.numpy as jnp
from jax import lax
from jax.experimental import pallas as pl
from jax.experimental.pallas import tpu as pltpu
from jax.experimental.pallas import tpu_sc as plsc

_NC = 2
_NS = 16
_NW = _NC * _NS
_CHUNK = 128
_TM = 1024


@functools.lru_cache(maxsize=None)
def _make_gather(bb: int, ss: int, d: int):
    ntok = bb * ss
    b_per_w = ntok // _NW
    nchunk = b_per_w // _CHUNK
    w_per_row = ss // b_per_w
    mesh = plsc.VectorSubcoreMesh(core_axis_name="c", subcore_axis_name="s")

    @functools.partial(
        pl.kernel,
        out_type=jax.ShapeDtypeStruct((ntok, d), jnp.float32),
        mesh=mesh,
        scratch_types=[
            pltpu.VMEM((b_per_w,), jnp.int32),
            pltpu.VMEM((b_per_w, d), jnp.float32),
            [pltpu.SemaphoreType.DMA for _ in range(nchunk)],
            pltpu.SemaphoreType.DMA,
        ],
    )
    def gather_kernel(idx_hbm, table_hbm, out_hbm, idx_v, rows_v, gsems, wsem):
        wid = lax.axis_index("s") * _NC + lax.axis_index("c")
        base = wid * b_per_w
        pltpu.sync_copy(
            idx_hbm.at[wid // w_per_row, pl.ds((wid % w_per_row) * b_per_w, b_per_w)],
            idx_v,
        )
        gathers = []
        for j in range(nchunk):
            gathers.append(
                pltpu.async_copy(
                    table_hbm.at[idx_v.at[pl.ds(j * _CHUNK, _CHUNK)]],
                    rows_v.at[pl.ds(j * _CHUNK, _CHUNK)],
                    gsems[j],
                )
            )
        writes = []
        for j in range(nchunk):
            gathers[j].wait()
            writes.append(
                pltpu.async_copy(
                    rows_v.at[pl.ds(j * _CHUNK, _CHUNK)],
                    out_hbm.at[pl.ds(base + j * _CHUNK, _CHUNK)],
                    wsem,
                )
            )
        for w in writes:
            w.wait()

    return gather_kernel


def _proj_body(x_ref, w_ref, s_ref, o_ref):
    o_ref[...] = (
        lax.dot_general(
            x_ref[...].astype(jnp.bfloat16),
            w_ref[...].astype(jnp.bfloat16),
            (((1,), (1,)), ((), ())),
            preferred_element_type=jnp.float32,
        )
        * s_ref[0]
    )


@functools.lru_cache(maxsize=None)
def _make_proj(ntok: int, d: int, m: int):
    grid = (ntok // _TM,)
    return pl.pallas_call(
        _proj_body,
        grid=grid,
        in_specs=[
            pl.BlockSpec((_TM, d), lambda i: (i, 0)),
            pl.BlockSpec((m, d), lambda i: (0, 0)),
            pl.BlockSpec(memory_space=pltpu.SMEM),
        ],
        out_specs=pl.BlockSpec((_TM, m), lambda i: (i, 0)),
        out_shape=jax.ShapeDtypeStruct((ntok, m), jnp.float32),
        compiler_params=pltpu.CompilerParams(
            dimension_semantics=("arbitrary",)
        ),
    )


def kernel(token_ids, embed_table, proj_weight, scale):
    b, s = token_ids.shape
    ntok = b * s
    d = embed_table.shape[1]
    m = proj_weight.shape[0]
    ids = token_ids.astype(jnp.int32)
    sc = scale.astype(jnp.float32).reshape(1)
    gathered = _make_gather(b, s, d)(ids, embed_table)
    out = _make_proj(ntok, d, m)(gathered, proj_weight, sc)
    return out.reshape(b, s, m)

# --- scband reference (transcript-rebuilt; emitter-appended) ---
"""Pipeline reference for scband-value-embedding-21663815041401 (READ-ONLY COPY).

The authoritative reference and input builder live on the scoring server;
editing this copy changes nothing except your own understanding.
"""

import jax, jax.numpy as jnp
import numpy as np

VOCAB = 100000
VE_DIM = 128
MODEL_DIM = 2048
B, S = 4, 4096

def setup_inputs(seed: int = 0) -> dict:
    key = jax.random.key(seed)
    k1, k2 = jax.random.split(key)
    token_ids = jax.random.randint(k1, (B, S), 0, VOCAB, dtype=jnp.int64 if jax.config.jax_enable_x64 else jnp.int32)
    embed_table = jax.random.normal(k2, (VOCAB, VE_DIM), dtype=jnp.float32) * 0.01
    # CastedLinear(ve_dim, model_dim, bias=False): weight shape [model_dim, ve_dim], zero-initialized
    proj_weight = jnp.zeros((MODEL_DIM, VE_DIM), dtype=jnp.float32)
    scale = jnp.asarray(0.1, dtype=jnp.float32)
    return {"token_ids": token_ids, "embed_table": embed_table, "proj_weight": proj_weight, "scale": scale}

def reference(token_ids, embed_table, proj_weight, scale):
    # h = self.embed(token_ids)
    h = jnp.take(embed_table, token_ids, axis=0)  # [B, S, ve_dim]
    # h = self.proj(h)  (F.linear: h @ W.T, no bias)
    h = jnp.einsum('bsv,mv->bsm', h, proj_weight.astype(h.dtype))  # [B, S, model_dim]
    # return h * self.scale
    return h * scale.astype(h.dtype)

if __name__ == "__main__":
    import jax
    _d = setup_inputs()
    print(jax.jit(kernel)(*tuple(_d.values())))

</pallas_src>

<mosaic_0001>
#map = affine_map<(d0, d1) -> (0, 0)>
module attributes {stable_mosaic.version = 14 : i64} {
  func.func @gather_kernel(%arg0: i32, %arg1: i32, %arg2: memref<4x4096xi32, #tpu.memory_space<hbm>>, %arg3: memref<100000x128xf32, #tpu.memory_space<hbm>>, %arg4: memref<16384x128xf32, #tpu.memory_space<hbm>>, %arg5: memref<512xi32, #tpu.memory_space<vmem>>, %arg6: memref<512x128xf32, #tpu.memory_space<vmem>>, %arg7: memref<!tpu.dma_semaphore, #tpu.memory_space<semaphore_mem>>, %arg8: memref<!tpu.dma_semaphore, #tpu.memory_space<semaphore_mem>>, %arg9: memref<!tpu.dma_semaphore, #tpu.memory_space<semaphore_mem>>, %arg10: memref<!tpu.dma_semaphore, #tpu.memory_space<semaphore_mem>>, %arg11: memref<!tpu.dma_semaphore, #tpu.memory_space<semaphore_mem>>) attributes {dimension_semantics = [#tpu.dimension_semantics<core_parallel>, #tpu.dimension_semantics<subcore_parallel>], iteration_bounds = array<i64: 2, 16>, scalar_prefetch = 0 : i64, scratch_operands = 7 : i64, tpu.core_type = #tpu.core_type<sc_vector_subcore>, window_params = [{transform_indices = #map}, {transform_indices = #map}, {transform_indices = #map}]} {
    %mul3A = arith.constant 2 : i32
    %mul3A_0 = arith.muli %arg1, %mul3A : i32
    %add3A = arith.addi %mul3A_0, %arg0 : i32
    %mul3A_1 = arith.constant 512 : i32
    %mul3A_2 = arith.muli %add3A, %mul3A_1 : i32
    %jit3A = arith.constant 8 : i32
    %div3A = arith.divsi %add3A, %jit3A : i32
    %sign3A = arith.constant 0 : i32
    %sign3A_3 = arith.cmpi sgt, %add3A, %sign3A : i32
    %sign3A_4 = arith.extui %sign3A_3 : i1 to i32
    %sign3A_5 = arith.constant 0 : i32
    %sign3A_6 = arith.cmpi slt, %add3A, %sign3A_5 : i32
    %sign3A_7 = arith.extui %sign3A_6 : i1 to i32
    %sign3A_8 = arith.subi %sign3A_4, %sign3A_7 : i32
    %sign3A_9 = arith.constant 0 : i32
    %sign3A_10 = arith.cmpi sgt, %jit3A, %sign3A_9 : i32
    %sign3A_11 = arith.extui %sign3A_10 : i1 to i32
    %sign3A_12 = arith.constant 0 : i32
    %sign3A_13 = arith.cmpi slt, %jit3A, %sign3A_12 : i32
    %sign3A_14 = arith.extui %sign3A_13 : i1 to i32
    %sign3A_15 = arith.subi %sign3A_11, %sign3A_14 : i32
    %ne3A = arith.cmpi ne, %sign3A_8, %sign3A_15 : i32
    %rem3A = arith.remsi %add3A, %jit3A : i32
    %ne3A_16 = arith.constant 0 : i32
    %ne3A_17 = arith.cmpi ne, %rem3A, %ne3A_16 : i32
    %and3A = arith.andi %ne3A, %ne3A_17 : i1
    %sub3A = arith.constant 1 : i32
    %sub3A_18 = arith.subi %div3A, %sub3A : i32
    %select_n3A = arith.select %and3A, %sub3A_18, %div3A : i32
    %jit3A_19 = arith.constant 8 : i32
    %eq3A = arith.constant 0 : i32
    %eq3A_20 = arith.cmpi eq, %jit3A_19, %eq3A : i32
    %jit3A_21 = arith.constant 1 : i32
    %select_n3A_22 = arith.select %eq3A_20, %jit3A_21, %jit3A_19 : i32
    %rem3A_23 = arith.remsi %add3A, %select_n3A_22 : i32
    %ne3A_24 = arith.constant 0 : i32
    %ne3A_25 = arith.cmpi ne, %rem3A_23, %ne3A_24 : i32
    %lt3A = arith.constant 0 : i32
    %lt3A_26 = arith.cmpi slt, %rem3A_23, %lt3A : i32
    %lt3A_27 = arith.constant 0 : i32
    %lt3A_28 = arith.cmpi slt, %select_n3A_22, %lt3A_27 : i32
    %ne3A_29 = arith.xori %lt3A_26, %lt3A_28 : i1
    %and3A_30 = arith.andi %ne3A_29, %ne3A_25 : i1
    %add3A_31 = arith.addi %rem3A_23, %select_n3A_22 : i32
    %select_n3A_32 = arith.select %and3A_30, %add3A_31, %rem3A_23 : i32
    %mul3A_33 = arith.constant 512 : i32
    %mul3A_34 = arith.muli %select_n3A_32, %mul3A_33 : i32
    "tpu.region"() ({
      %run_scoped3A = tpu.sem_alloc : memref<!tpu.dma_semaphore, #tpu.memory_space<semaphore_mem>>
      %dma_start3A_185 = tpu.memref_slice %arg2[%select_n3A, %mul3A_34] : memref<4x4096xi32, #tpu.memory_space<hbm>> -> memref<1x512xi32, #tpu.memory_space<hbm>>
      %dma_start3A_186 = tpu.memref_squeeze %dma_start3A_185 : memref<1x512xi32, #tpu.memory_space<hbm>> -> memref<512xi32, #tpu.memory_space<hbm>>
      %dma_start3A_187 = tpu.memref_slice %arg2[%select_n3A, %mul3A_34] : memref<4x4096xi32, #tpu.memory_space<hbm>> -> memref<1x512xi32, #tpu.memory_space<hbm>>
      %dma_start3A_188 = tpu.memref_squeeze %dma_start3A_187 : memref<1x512xi32, #tpu.memory_space<hbm>> -> memref<512xi32, #tpu.memory_space<hbm>>
      tpu.enqueue_dma source(%dma_start3A_188 : memref<512xi32, #tpu.memory_space<hbm>>) target(%arg5 : memref<512xi32, #tpu.memory_space<vmem>>) target_semaphore(%run_scoped3A : memref<!tpu.dma_semaphore, #tpu.memory_space<semaphore_mem>>)
      %dma_wait3A_189 = tpu.memref_slice %arg2[%select_n3A, %mul3A_34] : memref<4x4096xi32, #tpu.memory_space<hbm>> -> memref<1x512xi32, #tpu.memory_space<hbm>>
      %dma_wait3A_190 = tpu.memref_squeeze %dma_wait3A_189 : memref<1x512xi32, #tpu.memory_space<hbm>> -> memref<512xi32, #tpu.memory_space<hbm>>
      %dma_wait3A_191 = tpu.memref_slice %arg2[%select_n3A, %mul3A_34] : memref<4x4096xi32, #tpu.memory_space<hbm>> -> memref<1x512xi32, #tpu.memory_space<hbm>>
      %dma_wait3A_192 = tpu.memref_squeeze %dma_wait3A_191 : memref<1x512xi32, #tpu.memory_space<hbm>> -> memref<512xi32, #tpu.memory_space<hbm>>
      tpu.wait_dma2 semaphore(%run_scoped3A : memref<!tpu.dma_semaphore, #tpu.memory_space<semaphore_mem>>) src(%dma_wait3A_192 : memref<512xi32, #tpu.memory_space<hbm>>) dst(%arg5 : memref<512xi32, #tpu.memory_space<vmem>>)
      tpu.yield
    }) : () -> ()
    %dma_start3A = arith.constant 0 : i32
    %dma_start3A_35 = arith.constant 0 : i32
    %dma_start3A_36 = tpu.memref_slice %arg6[%dma_start3A, %dma_start3A_35] : memref<512x128xf32, #tpu.memory_space<vmem>> -> memref<128x128xf32, #tpu.memory_space<vmem>>
    %dma_start3A_37 = arith.constant 0 : i32
    %dma_start3A_38 = tpu.memref_slice %arg5[%dma_start3A_37] : memref<512xi32, #tpu.memory_space<vmem>> -> memref<128xi32, #tpu.memory_space<vmem>>
    %dma_start3A_39 = arith.constant 0 : i32
    %dma_start3A_40 = arith.constant 0 : i32
    %dma_start3A_41 = tpu.memref_slice %arg3[%dma_start3A_39, %dma_start3A_40] : memref<100000x128xf32, #tpu.memory_space<hbm>> -> memref<100000x128xf32, #tpu.memory_space<hbm>>
    tpu.enqueue_indirect_dma source(%dma_start3A_41 : memref<100000x128xf32, #tpu.memory_space<hbm>>) target(%dma_start3A_36 : memref<128x128xf32, #tpu.memory_space<vmem>>) offsets(%dma_start3A_38 : memref<128xi32, #tpu.memory_space<vmem>>) semaphore(%arg7 : memref<!tpu.dma_semaphore, #tpu.memory_space<semaphore_mem>>)
    %dma_start3A_42 = arith.constant 128 : i32
    %dma_start3A_43 = arith.constant 0 : i32
    %dma_start3A_44 = tpu.memref_slice %arg6[%dma_start3A_42, %dma_start3A_43] : memref<512x128xf32, #tpu.memory_space<vmem>> -> memref<128x128xf32, #tpu.memory_space<vmem>>
    %dma_start3A_45 = arith.constant 128 : i32
    %dma_start3A_46 = tpu.memref_slice %arg5[%dma_start3A_45] : memref<512xi32, #tpu.memory_space<vmem>> -> memref<128xi32, #tpu.memory_space<vmem>>
    %dma_start3A_47 = arith.constant 0 : i32
    %dma_start3A_48 = arith.constant 0 : i32
    %dma_start3A_49 = tpu.memref_slice %arg3[%dma_start3A_47, %dma_start3A_48] : memref<100000x128xf32, #tpu.memory_space<hbm>> -> memref<100000x128xf32, #tpu.memory_space<hbm>>
    tpu.enqueue_indirect_dma source(%dma_start3A_49 : memref<100000x128xf32, #tpu.memory_space<hbm>>) target(%dma_start3A_44 : memref<128x128xf32, #tpu.memory_space<vmem>>) offsets(%dma_start3A_46 : memref<128xi32, #tpu.memory_space<vmem>>) semaphore(%arg8 : memref<!tpu.dma_semaphore, #tpu.memory_space<semaphore_mem>>)
    %dma_start3A_50 = arith.constant 256 : i32
    %dma_start3A_51 = arith.constant 0 : i32
    %dma_start3A_52 = tpu.memref_slice %arg6[%dma_start3A_50, %dma_start3A_51] : memref<512x128xf32, #tpu.memory_space<vmem>> -> memref<128x128xf32, #tpu.memory_space<vmem>>
    %dma_start3A_53 = arith.constant 256 : i32
    %dma_start3A_54 = tpu.memref_slice %arg5[%dma_start3A_53] : memref<512xi32, #tpu.memory_space<vmem>> -> memref<128xi32, #tpu.memory_space<vmem>>
    %dma_start3A_55 = arith.constant 0 : i32
    %dma_start3A_56 = arith.constant 0 : i32
    %dma_start3A_57 = tpu.memref_slice %arg3[%dma_start3A_55, %dma_start3A_56] : memref<100000x128xf32, #tpu.memory_space<hbm>> -> memref<100000x128xf32, #tpu.memory_space<hbm>>
    tpu.enqueue_indirect_dma source(%dma_start3A_57 : memref<100000x128xf32, #tpu.memory_space<hbm>>) target(%dma_start3A_52 : memref<128x128xf32, #tpu.memory_space<vmem>>) offsets(%dma_start3A_54 : memref<128xi32, #tpu.memory_space<vmem>>) semaphore(%arg9 : memref<!tpu.dma_semaphore, #tpu.memory_space<semaphore_mem>>)
    %dma_start3A_58 = arith.constant 384 : i32
    %dma_start3A_59 = arith.constant 0 : i32
    %dma_start3A_60 = tpu.memref_slice %arg6[%dma_start3A_58, %dma_start3A_59] : memref<512x128xf32, #tpu.memory_space<vmem>> -> memref<128x128xf32, #tpu.memory_space<vmem>>
    %dma_start3A_61 = arith.constant 384 : i32
    %dma_start3A_62 = tpu.memref_slice %arg5[%dma_start3A_61] : memref<512xi32, #tpu.memory_space<vmem>> -> memref<128xi32, #tpu.memory_space<vmem>>
    %dma_start3A_63 = arith.constant 0 : i32
    %dma_start3A_64 = arith.constant 0 : i32
    %dma_start3A_65 = tpu.memref_slice %arg3[%dma_start3A_63, %dma_start3A_64] : memref<100000x128xf32, #tpu.memory_space<hbm>> -> memref<100000x128xf32, #tpu.memory_space<hbm>>
    tpu.enqueue_indirect_dma source(%dma_start3A_65 : memref<100000x128xf32, #tpu.memory_space<hbm>>) target(%dma_start3A_60 : memref<128x128xf32, #tpu.memory_space<vmem>>) offsets(%dma_start3A_62 : memref<128xi32, #tpu.memory_space<vmem>>) semaphore(%arg10 : memref<!tpu.dma_semaphore, #tpu.memory_space<semaphore_mem>>)
    %dma_wait3A = arith.constant 0 : i32
    %dma_wait3A_66 = arith.constant 0 : i32
    %dma_wait3A_67 = tpu.memref_slice %arg6[%dma_wait3A, %dma_wait3A_66] : memref<512x128xf32, #tpu.memory_space<vmem>> -> memref<128x128xf32, #tpu.memory_space<vmem>>
    %dma_wait3A_68 = arith.constant 0 : i32
    %dma_wait3A_69 = tpu.memref_slice %arg5[%dma_wait3A_68] : memref<512xi32, #tpu.memory_space<vmem>> -> memref<128xi32, #tpu.memory_space<vmem>>
    %dma_wait3A_70 = arith.constant 0 : i32
    %dma_wait3A_71 = arith.constant 0 : i32
    %dma_wait3A_72 = tpu.memref_slice %arg3[%dma_wait3A_70, %dma_wait3A_71] : memref<100000x128xf32, #tpu.memory_space<hbm>> -> memref<100000x128xf32, #tpu.memory_space<hbm>>
    tpu.wait_indirect_dma semaphore(%arg7 : memref<!tpu.dma_semaphore, #tpu.memory_space<semaphore_mem>>) src(%dma_wait3A_72 : memref<100000x128xf32, #tpu.memory_space<hbm>>) dst(%dma_wait3A_67 : memref<128x128xf32, #tpu.memory_space<vmem>>)
    %add3A_73 = arith.constant 0 : i32
    %add3A_74 = arith.addi %mul3A_2, %add3A_73 : i32
    %dma_start3A_75 = arith.constant 0 : i32
    %dma_start3A_76 = arith.constant 0 : i32
    %dma_start3A_77 = tpu.memref_slice %arg6[%dma_start3A_75, %dma_start3A_76] : memref<512x128xf32, #tpu.memory_space<vmem>> -> memref<128x128xf32, #tpu.memory_space<vmem>>
    %dma_start3A_78 = arith.constant 0 : i32
    %dma_start3A_79 = tpu.memref_slice %arg4[%add3A_74, %dma_start3A_78] : memref<16384x128xf32, #tpu.memory_space<hbm>> -> memref<128x128xf32, #tpu.memory_space<hbm>>
    %dma_start3A_80 = arith.constant 0 : i32
    %dma_start3A_81 = tpu.memref_slice %arg4[%add3A_74, %dma_start3A_80] : memref<16384x128xf32, #tpu.memory_space<hbm>> -> memref<128x128xf32, #tpu.memory_space<hbm>>
    %dma_start3A_82 = arith.constant 0 : i32
    %dma_start3A_83 = arith.constant 0 : i32
    %dma_start3A_84 = tpu.memref_slice %arg6[%dma_start3A_82, %dma_start3A_83] : memref<512x128xf32, #tpu.memory_space<vmem>> -> memref<128x128xf32, #tpu.memory_space<vmem>>
    tpu.enqueue_dma source(%dma_start3A_84 : memref<128x128xf32, #tpu.memory_space<vmem>>) target(%dma_start3A_81 : memref<128x128xf32, #tpu.memory_space<hbm>>) target_semaphore(%arg11 : memref<!tpu.dma_semaphore, #tpu.memory_space<semaphore_mem>>)
    %dma_wait3A_85 = arith.constant 128 : i32
    %dma_wait3A_86 = arith.constant 0 : i32
    %dma_wait3A_87 = tpu.memref_slice %arg6[%dma_wait3A_85, %dma_wait3A_86] : memref<512x128xf32, #tpu.memory_space<vmem>> -> memref<128x128xf32, #tpu.memory_space<vmem>>
    %dma_wait3A_88 = arith.constant 128 : i32
    %dma_wait3A_89 = tpu.memref_slice %arg5[%dma_wait3A_88] : memref<512xi32, #tpu.memory_space<vmem>> -> memref<128xi32, #tpu.memory_space<vmem>>
    %dma_wait3A_90 = arith.constant 0 : i32
    %dma_wait3A_91 = arith.constant 0 : i32
    %dma_wait3A_92 = tpu.memref_slice %arg3[%dma_wait3A_90, %dma_wait3A_91] : memref<100000x128xf32, #tpu.memory_space<hbm>> -> memref<100000x128xf32, #tpu.memory_space<hbm>>
    tpu.wait_indirect_dma semaphore(%arg8 : memref<!tpu.dma_semaphore, #tpu.memory_space<semaphore_mem>>) src(%dma_wait3A_92 : memref<100000x128xf32, #tpu.memory_space<hbm>>) dst(%dma_wait3A_87 : memref<128x128xf32, #tpu.memory_space<vmem>>)
    %add3A_93 = arith.constant 128 : i32
    %add3A_94 = arith.addi %mul3A_2, %add3A_93 : i32
    %dma_start3A_95 = arith.constant 128 : i32
    %dma_start3A_96 = arith.constant 0 : i32
    %dma_start3A_97 = tpu.memref_slice %arg6[%dma_start3A_95, %dma_start3A_96] : memref<512x128xf32, #tpu.memory_space<vmem>> -> memref<128x128xf32, #tpu.memory_space<vmem>>
    %dma_start3A_98 = arith.constant 0 : i32
    %dma_start3A_99 = tpu.memref_slice %arg4[%add3A_94, %dma_start3A_98] : memref<16384x128xf32, #tpu.memory_space<hbm>> -> memref<128x128xf32, #tpu.memory_space<hbm>>
    %dma_start3A_100 = arith.constant 0 : i32
    %dma_start3A_101 = tpu.memref_slice %arg4[%add3A_94, %dma_start3A_100] : memref<16384x128xf32, #tpu.memory_space<hbm>> -> memref<128x128xf32, #tpu.memory_space<hbm>>
    %dma_start3A_102 = arith.constant 128 : i32
    %dma_start3A_103 = arith.constant 0 : i32
    %dma_start3A_104 = tpu.memref_slice %arg6[%dma_start3A_102, %dma_start3A_103] : memref<512x128xf32, #tpu.memory_space<vmem>> -> memref<128x128xf32, #tpu.memory_space<vmem>>
    tpu.enqueue_dma source(%dma_start3A_104 : memref<128x128xf32, #tpu.memory_space<vmem>>) target(%dma_start3A_101 : memref<128x128xf32, #tpu.memory_space<hbm>>) target_semaphore(%arg11 : memref<!tpu.dma_semaphore, #tpu.memory_space<semaphore_mem>>)
    %dma_wait3A_105 = arith.constant 256 : i32
    %dma_wait3A_106 = arith.constant 0 : i32
    %dma_wait3A_107 = tpu.memref_slice %arg6[%dma_wait3A_105, %dma_wait3A_106] : memref<512x128xf32, #tpu.memory_space<vmem>> -> memref<128x128xf32, #tpu.memory_space<vmem>>
    %dma_wait3A_108 = arith.constant 256 : i32
    %dma_wait3A_109 = tpu.memref_slice %arg5[%dma_wait3A_108] : memref<512xi32, #tpu.memory_space<vmem>> -> memref<128xi32, #tpu.memory_space<vmem>>
    %dma_wait3A_110 = arith.constant 0 : i32
    %dma_wait3A_111 = arith.constant 0 : i32
    %dma_wait3A_112 = tpu.memref_slice %arg3[%dma_wait3A_110, %dma_wait3A_111] : memref<100000x128xf32, #tpu.memory_space<hbm>> -> memref<100000x128xf32, #tpu.memory_space<hbm>>
    tpu.wait_indirect_dma semaphore(%arg9 : memref<!tpu.dma_semaphore, #tpu.memory_space<semaphore_mem>>) src(%dma_wait3A_112 : memref<100000x128xf32, #tpu.memory_space<hbm>>) dst(%dma_wait3A_107 : memref<128x128xf32, #tpu.memory_space<vmem>>)
    %add3A_113 = arith.constant 256 : i32
    %add3A_114 = arith.addi %mul3A_2, %add3A_113 : i32
    %dma_start3A_115 = arith.constant 256 : i32
    %dma_start3A_116 = arith.constant 0 : i32
    %dma_start3A_117 = tpu.memref_slice %arg6[%dma_start3A_115, %dma_start3A_116] : memref<512x128xf32, #tpu.memory_space<vmem>> -> memref<128x128xf32, #tpu.memory_space<vmem>>
    %dma_start3A_118 = arith.constant 0 : i32
    %dma_start3A_119 = tpu.memref_slice %arg4[%add3A_114, %dma_start3A_118] : memref<16384x128xf32, #tpu.memory_space<hbm>> -> memref<128x128xf32, #tpu.memory_space<hbm>>
    %dma_start3A_120 = arith.constant 0 : i32
    %dma_start3A_121 = tpu.memref_slice %arg4[%add3A_114, %dma_start3A_120] : memref<16384x128xf32, #tpu.memory_space<hbm>> -> memref<128x128xf32, #tpu.memory_space<hbm>>
    %dma_start3A_122 = arith.constant 256 : i32
    %dma_start3A_123 = arith.constant 0 : i32
    %dma_start3A_124 = tpu.memref_slice %arg6[%dma_start3A_122, %dma_start3A_123] : memref<512x128xf32, #tpu.memory_space<vmem>> -> memref<128x128xf32, #tpu.memory_space<vmem>>
    tpu.enqueue_dma source(%dma_start3A_124 : memref<128x128xf32, #tpu.memory_space<vmem>>) target(%dma_start3A_121 : memref<128x128xf32, #tpu.memory_space<hbm>>) target_semaphore(%arg11 : memref<!tpu.dma_semaphore, #tpu.memory_space<semaphore_mem>>)
    %dma_wait3A_125 = arith.constant 384 : i32
    %dma_wait3A_126 = arith.constant 0 : i32
    %dma_wait3A_127 = tpu.memref_slice %arg6[%dma_wait3A_125, %dma_wait3A_126] : memref<512x128xf32, #tpu.memory_space<vmem>> -> memref<128x128xf32, #tpu.memory_space<vmem>>
    %dma_wait3A_128 = arith.constant 384 : i32
    %dma_wait3A_129 = tpu.memref_slice %arg5[%dma_wait3A_128] : memref<512xi32, #tpu.memory_space<vmem>> -> memref<128xi32, #tpu.memory_space<vmem>>
    %dma_wait3A_130 = arith.constant 0 : i32
    %dma_wait3A_131 = arith.constant 0 : i32
    %dma_wait3A_132 = tpu.memref_slice %arg3[%dma_wait3A_130, %dma_wait3A_131] : memref<100000x128xf32, #tpu.memory_space<hbm>> -> memref<100000x128xf32, #tpu.memory_space<hbm>>
    tpu.wait_indirect_dma semaphore(%arg10 : memref<!tpu.dma_semaphore, #tpu.memory_space<semaphore_mem>>) src(%dma_wait3A_132 : memref<100000x128xf32, #tpu.memory_space<hbm>>) dst(%dma_wait3A_127 : memref<128x128xf32, #tpu.memory_space<vmem>>)
    %add3A_133 = arith.constant 384 : i32
    %add3A_134 = arith.addi %mul3A_2, %add3A_133 : i32
    %dma_start3A_135 = arith.constant 384 : i32
    %dma_start3A_136 = arith.constant 0 : i32
    %dma_start3A_137 = tpu.memref_slice %arg6[%dma_start3A_135, %dma_start3A_136] : memref<512x128xf32, #tpu.memory_space<vmem>> -> memref<128x128xf32, #tpu.memory_space<vmem>>
    %dma_start3A_138 = arith.constant 0 : i32
    %dma_start3A_139 = tpu.memref_slice %arg4[%add3A_134, %dma_start3A_138] : memref<16384x128xf32, #tpu.memory_space<hbm>> -> memref<128x128xf32, #tpu.memory_space<hbm>>
    %dma_start3A_140 = arith.constant 0 : i32
    %dma_start3A_141 = tpu.memref_slice %arg4[%add3A_134, %dma_start3A_140] : memref<16384x128xf32, #tpu.memory_space<hbm>> -> memref<128x128xf32, #tpu.memory_space<hbm>>
    %dma_start3A_142 = arith.constant 384 : i32
    %dma_start3A_143 = arith.constant 0 : i32
    %dma_start3A_144 = tpu.memref_slice %arg6[%dma_start3A_142, %dma_start3A_143] : memref<512x128xf32, #tpu.memory_space<vmem>> -> memref<128x128xf32, #tpu.memory_space<vmem>>
    tpu.enqueue_dma source(%dma_start3A_144 : memref<128x128xf32, #tpu.memory_space<vmem>>) target(%dma_start3A_141 : memref<128x128xf32, #tpu.memory_space<hbm>>) target_semaphore(%arg11 : memref<!tpu.dma_semaphore, #tpu.memory_space<semaphore_mem>>)
    %dma_wait3A_145 = arith.constant 0 : i32
    %dma_wait3A_146 = arith.constant 0 : i32
    %dma_wait3A_147 = tpu.memref_slice %arg6[%dma_wait3A_145, %dma_wait3A_146] : memref<512x128xf32, #tpu.memory_space<vmem>> -> memref<128x128xf32, #tpu.memory_space<vmem>>
    %dma_wait3A_148 = arith.constant 0 : i32
    %dma_wait3A_149 = tpu.memref_slice %arg4[%add3A_74, %dma_wait3A_148] : memref<16384x128xf32, #tpu.memory_space<hbm>> -> memref<128x128xf32, #tpu.memory_space<hbm>>
    %dma_wait3A_150 = arith.constant 0 : i32
    %dma_wait3A_151 = tpu.memref_slice %arg4[%add3A_74, %dma_wait3A_150] : memref<16384x128xf32, #tpu.memory_space<hbm>> -> memref<128x128xf32, #tpu.memory_space<hbm>>
    %dma_wait3A_152 = arith.constant 0 : i32
    %dma_wait3A_153 = arith.constant 0 : i32
    %dma_wait3A_154 = tpu.memref_slice %arg6[%dma_wait3A_152, %dma_wait3A_153] : memref<512x128xf32, #tpu.memory_space<vmem>> -> memref<128x128xf32, #tpu.memory_space<vmem>>
    tpu.wait_dma2 semaphore(%arg11 : memref<!tpu.dma_semaphore, #tpu.memory_space<semaphore_mem>>) src(%dma_wait3A_154 : memref<128x128xf32, #tpu.memory_space<vmem>>) dst(%dma_wait3A_151 : memref<128x128xf32, #tpu.memory_space<hbm>>)
    %dma_wait3A_155 = arith.constant 128 : i32
    %dma_wait3A_156 = arith.constant 0 : i32
    %dma_wait3A_157 = tpu.memref_slice %arg6[%dma_wait3A_155, %dma_wait3A_156] : memref<512x128xf32, #tpu.memory_space<vmem>> -> memref<128x128xf32, #tpu.memory_space<vmem>>
    %dma_wait3A_158 = arith.constant 0 : i32
    %dma_wait3A_159 = tpu.memref_slice %arg4[%add3A_94, %dma_wait3A_158] : memref<16384x128xf32, #tpu.memory_space<hbm>> -> memref<128x128xf32, #tpu.memory_space<hbm>>
    %dma_wait3A_160 = arith.constant 0 : i32
    %dma_wait3A_161 = tpu.memref_slice %arg4[%add3A_94, %dma_wait3A_160] : memref<16384x128xf32, #tpu.memory_space<hbm>> -> memref<128x128xf32, #tpu.memory_space<hbm>>
    %dma_wait3A_162 = arith.constant 128 : i32
    %dma_wait3A_163 = arith.constant 0 : i32
    %dma_wait3A_164 = tpu.memref_slice %arg6[%dma_wait3A_162, %dma_wait3A_163] : memref<512x128xf32, #tpu.memory_space<vmem>> -> memref<128x128xf32, #tpu.memory_space<vmem>>
    tpu.wait_dma2 semaphore(%arg11 : memref<!tpu.dma_semaphore, #tpu.memory_space<semaphore_mem>>) src(%dma_wait3A_164 : memref<128x128xf32, #tpu.memory_space<vmem>>) dst(%dma_wait3A_161 : memref<128x128xf32, #tpu.memory_space<hbm>>)
    %dma_wait3A_165 = arith.constant 256 : i32
    %dma_wait3A_166 = arith.constant 0 : i32
    %dma_wait3A_167 = tpu.memref_slice %arg6[%dma_wait3A_165, %dma_wait3A_166] : memref<512x128xf32, #tpu.memory_space<vmem>> -> memref<128x128xf32, #tpu.memory_space<vmem>>
    %dma_wait3A_168 = arith.constant 0 : i32
    %dma_wait3A_169 = tpu.memref_slice %arg4[%add3A_114, %dma_wait3A_168] : memref<16384x128xf32, #tpu.memory_space<hbm>> -> memref<128x128xf32, #tpu.memory_space<hbm>>
    %dma_wait3A_170 = arith.constant 0 : i32
    %dma_wait3A_171 = tpu.memref_slice %arg4[%add3A_114, %dma_wait3A_170] : memref<16384x128xf32, #tpu.memory_space<hbm>> -> memref<128x128xf32, #tpu.memory_space<hbm>>
    %dma_wait3A_172 = arith.constant 256 : i32
    %dma_wait3A_173 = arith.constant 0 : i32
    %dma_wait3A_174 = tpu.memref_slice %arg6[%dma_wait3A_172, %dma_wait3A_173] : memref<512x128xf32, #tpu.memory_space<vmem>> -> memref<128x128xf32, #tpu.memory_space<vmem>>
    tpu.wait_dma2 semaphore(%arg11 : memref<!tpu.dma_semaphore, #tpu.memory_space<semaphore_mem>>) src(%dma_wait3A_174 : memref<128x128xf32, #tpu.memory_space<vmem>>) dst(%dma_wait3A_171 : memref<128x128xf32, #tpu.memory_space<hbm>>)
    %dma_wait3A_175 = arith.constant 384 : i32
    %dma_wait3A_176 = arith.constant 0 : i32
    %dma_wait3A_177 = tpu.memref_slice %arg6[%dma_wait3A_175, %dma_wait3A_176] : memref<512x128xf32, #tpu.memory_space<vmem>> -> memref<128x128xf32, #tpu.memory_space<vmem>>
    %dma_wait3A_178 = arith.constant 0 : i32
    %dma_wait3A_179 = tpu.memref_slice %arg4[%add3A_134, %dma_wait3A_178] : memref<16384x128xf32, #tpu.memory_space<hbm>> -> memref<128x128xf32, #tpu.memory_space<hbm>>
    %dma_wait3A_180 = arith.constant 0 : i32
    %dma_wait3A_181 = tpu.memref_slice %arg4[%add3A_134, %dma_wait3A_180] : memref<16384x128xf32, #tpu.memory_space<hbm>> -> memref<128x128xf32, #tpu.memory_space<hbm>>
    %dma_wait3A_182 = arith.constant 384 : i32
    %dma_wait3A_183 = arith.constant 0 : i32
    %dma_wait3A_184 = tpu.memref_slice %arg6[%dma_wait3A_182, %dma_wait3A_183] : memref<512x128xf32, #tpu.memory_space<vmem>> -> memref<128x128xf32, #tpu.memory_space<vmem>>
    tpu.wait_dma2 semaphore(%arg11 : memref<!tpu.dma_semaphore, #tpu.memory_space<semaphore_mem>>) src(%dma_wait3A_184 : memref<128x128xf32, #tpu.memory_space<vmem>>) dst(%dma_wait3A_181 : memref<128x128xf32, #tpu.memory_space<hbm>>)
    return
  }
}

module attributes {stable_mosaic.version = 14 : i64} {
  func.func @_proj_body(%arg0: i32, %arg1: memref<1024x128xf32, #tpu.memory_space<vmem>>, %arg2: memref<2048x128xf32, #tpu.memory_space<vmem>>, %arg3: memref<1xf32, #tpu.memory_space<smem>>, %arg4: memref<1024x2048xf32, #tpu.memory_space<vmem>>) attributes {dimension_semantics = [#tpu.dimension_semantics<arbitrary>], iteration_bounds = array<i64: 16>, scalar_prefetch = 0 : i64, scratch_operands = 0 : i64, tpu.core_type = #tpu.core_type<tc>, window_params = [{transform_indices = @transform_0, window_bounds = array<i64: 1024, 128>}, {pipeline_mode = #tpu.pipeline_mode<synchronous>, transform_indices = @transform_1, window_bounds = array<i64: 2048, 128>}, {transform_indices = @transform_2, window_bounds = array<i64: 1>}, {transform_indices = @transform_3, window_bounds = array<i64: 1024, 2048>}]} {
    %get3A = arith.constant 0 : index
    %get3A_0 = arith.constant 0 : index
    %get3A_1 = vector.load %arg1[%get3A, %get3A_0] : memref<1024x128xf32, #tpu.memory_space<vmem>>, vector<1024x128xf32>
    %convert_element_type3A = arith.truncf %get3A_1 : vector<1024x128xf32> to vector<1024x128xbf16>
    %get3A_2 = arith.constant 0 : index
    %get3A_3 = arith.constant 0 : index
    %get3A_4 = vector.load %arg2[%get3A_2, %get3A_3] : memref<2048x128xf32, #tpu.memory_space<vmem>>, vector<2048x128xf32>
    %convert_element_type3A_5 = arith.truncf %get3A_4 : vector<2048x128xf32> to vector<2048x128xbf16>
    %dot_general3A = arith.constant dense<0.000000e+00> : vector<1024x2048xf32>
    %dot_general3A_6 = tpu.matmul %convert_element_type3A, %convert_element_type3A_5, %dot_general3A {dimension_numbers = #tpu.dot_dimension_numbers<[1], [1], [0], [0], [0, 0, 1, 0], [], []>, transpose_lhs_hint = false} : vector<1024x128xbf16>, vector<2048x128xbf16>, vector<1024x2048xf32> -> vector<1024x2048xf32>
    %get3A_7 = arith.constant 0 : index
    %get3A_8 = memref.load %arg3[%get3A_7] : memref<1xf32, #tpu.memory_space<smem>>
    %mul3A = vector.broadcast %get3A_8 : f32 to vector<1024x2048xf32>
    %mul3A_9 = arith.mulf %dot_general3A_6, %mul3A : vector<1024x2048xf32>
    %swap3A = arith.constant 0 : index
    %swap3A_10 = arith.constant 0 : index
    %swap3A_11 = vector.load %arg4[%swap3A, %swap3A_10] : memref<1024x2048xf32, #tpu.memory_space<vmem>>, vector<1024x2048xf32>
    tpu.vector_store %arg4[%swap3A, %swap3A_10], %mul3A_9 {strides = array<i32>} : memref<1024x2048xf32, #tpu.memory_space<vmem>>, vector<1024x2048xf32>,
    return
  }
  func.func @transform_0(%arg0: i32) -> (i32, i32) {
    %c0_i32 = arith.constant 0 : i32
    %c0_i32_0 = arith.constant 0 : i32
    return %arg0, %c0_i32 : i32, i32
  }
  func.func @transform_1(%arg0: i32) -> (i32, i32) {
    %c0_i32 = arith.constant 0 : i32
    %c0_i32_0 = arith.constant 0 : i32
    %c0_i32_1 = arith.constant 0 : i32
    return %c0_i32, %c0_i32_0 : i32, i32
  }
  func.func @transform_2(%arg0: i32) -> i32 {
    %c0_i32 = arith.constant 0 : i32
    %c0_i32_0 = arith.constant 0 : i32
    return %c0_i32 : i32
  }
  func.func @transform_3(%arg0: i32) -> (i32, i32) {
    %c0_i32 = arith.constant 0 : i32
    %c0_i32_0 = arith.constant 0 : i32
    return %arg0, %c0_i32 : i32, i32
  }
}

</mosaic_0001>

<sc_bundles>
// kernel: kernel.4.cloned.1.call-start
scs
__scs_entry_jumppad:
0x0: {  	(pc) =	sbr.rel $0x88, $3  }
0x1: {  	(tag) =	ssettag $0x0;
	lr =	simm.s32 $0x1  }
0x2: {  	[smem:$0x3F9D] =	sst lr;
	_ =	strace $0xD0000000  }
0x3: {  	_ = 	snop  }
0x4: {  	_ = 	snop  }
0x5: {  	_ = 	snop  }
0x6: {  	_ = 	snop  }
0x7: {  	_ = 	snop  }
__scs_overlays_trampoline_lowered:
0x8: {  	[smem:$0x3FAC] =	sst s0  }
0x9: {  	[smem:$0x3FAD] =	sst s1  }
0xa: {  	[smem:$0x3FAE] =	sst s2  }
0xb: {  	[smem:$0x3FAF] =	sst s3  }
0xc: {  	[smem:$0x3FB0] =	sst s4  }
0xd: {  	[smem:$0x3FB1] =	sst s5  }
0xe: {  	[smem:$0x3FB2] =	sst s6  }
0xf: {  	[smem:$0x3FB3] =	sst s7  }
0x10: {  	[smem:$0x3FB4] =	sst s8  }
0x11: {  	[smem:$0x3FB5] =	sst s9;
	s0 =	simm.s32 @!p0 $0x0  }
0x12: {  	s1 =	sld [smem:$0x3F9B];
	s0 =	simm.s32 @p0 $0x1  }
0x13: {  	[smem:$0x3FB6] =	sst s0;
	s0 =	simm.s32 @!p1 $0x0  }
0x14: {  	s2 =	sld [smem:$0x3F9A];
	s0 =	simm.s32 @p1 $0x1  }
0x15: {  	[smem:$0x3FB7] =	sst s0;
	s0 =	simm.s32 @!p2 $0x0  }
0x16: {  	s3 =	sld [smem:$0x3FDB];
	s0 =	simm.s32 @p2 $0x1  }
0x17: {  	s4 =	simm.s32 $0x1BF5;
	[smem:$0x3FB9] =	sst s0  }
0x18: {  	s0 =	sld [smem:$0x3F9C];
	_ =	swait.ge [sflag:s4], $0x0  }
0x19: {  	s7 =	sld [smem:$0x3F9D]  }
0x1a: {  	s8 =	sadd.s32 $0xFFFFE003, lr  }
0x1b: {  	s9 =	sadd.s32 $0xFFFFFEF7, lr;
	s5 =	simm.s32 $0xFFFFFFFF;
	p2 =	slt.u32 s8, $0xFFFFF086  }
0x1c: {  	p1 =	slt.u32 s9, $0xF7A;
	s5 =	simm.s32 @!p2 $0x0  }
0x1d: {  	s5 =	simm.s32 @p1 $0x1;
	p0 =	seq.s32 s7, s2  }
0x1e: {  	s7 =	smul.u32 @!p0 $0xF7A, s2;
	p2 =	seq.s32 @!p0 s5, $0x0  }
0x1f: {  	s9 =	smul.u32 $0xF7A, s1;
	s8 =	simm.s32 @!p0 $0x1BF5;
	p2 =	por !p2, p0  }
0x20: {  	[sflag:s8] =	ssyncset.s32 @!p0 $0xFFFFF086;
	s6 =	sadd.s32 @!p0 s3, s7;
	s7 =	simm.s32 @!p0 $0x108  }
0x21: {  	s3 =	sadd.s32 s3, s9;
	s6 =	sadd.s32 @!p0 $0x88, s6;
	s7 =	simm.s32 @p2 $0x1082  }
0x22: {  	[simem:s7], [sflag:s8] =	dma.local @!p0 [hbm:s6], $0xF7A  }
0x23: {  	s9 =	sor.u32 $0xD0000000, s2;
	s6 =	simm.s32 $0x108;
	_ =	swait.ge @!p0 [sflag:s8], $0x0  }
0x24: {  	s3 =	sadd.s32 $0x88, s3;
	s6 =	simm.s32 @!p1 $0x1082;
	[sflag:s4] =	ssyncset.s32 $0xFFFFF086  }
0x25: {  	[simem:s6], [sflag:s4] =	dma.local [hbm:s3], $0xF7A  }
0x26: {  	[smem:$0x3F9D] =	sst s1;
	(tag) =	ssettag s2;
	_ =	strace s9  }
0x27: {  	s1 =	sld [smem:$0x3FAD]  }
0x28: {  	s2 =	sld [smem:$0x3FAE]  }
0x29: {  	s4 =	sld [smem:$0x3FB0]  }
0x2a: {  	p0 =	seq.s32 s5, $0x0;
	s5 =	sld [smem:$0x3FB1]  }
0x2b: {  	s6 =	sld [smem:$0x3FB2]  }
0x2c: {  	s7 =	sld [smem:$0x3FB3]  }
0x2d: {  	s3 =	simm.s32 $0x108;
	s8 =	sld [smem:$0x3FB4]  }
0x2e: {  	s3 =	simm.s32 @!p0 $0x1082;
	s9 =	sld [smem:$0x3FB5]  }
0x2f: {  	lr =	sadd.s32 s0, s3;
	s0 =	sld [smem:$0x3FAC]  }
0x30: {  	s3 =	sld [smem:$0x3FAF]  }
0x31: {  	[smem:$0x3FB8] =	sst s10  }
0x32: {  	s10 =	sld [smem:$0x3FB6];
	_ =	sdelay $0x3  }
0x33: {  	p0 =	seq.s32 s10, $0x1;
	s10 =	sld [smem:$0x3FB8];
	_ =	sdelay $0x3  }
0x34: {  	[smem:$0x3FB8] =	sst s10  }
0x35: {  	s10 =	sld [smem:$0x3FB7];
	_ =	sdelay $0x3  }
0x36: {  	p1 =	seq.s32 s10, $0x1;
	s10 =	sld [smem:$0x3FB8];
	_ =	sdelay $0x3  }
0x37: {  	[smem:$0x3FB8] =	sst s10  }
0x38: {  	s10 =	sld [smem:$0x3FB9]  }
0x39: {  	_ = 	snop;
	(pc) =	sbr.ind lr, $3  }
0x3a: {  	_ = 	snop  }
0x3b: {  	_ = 	snop  }
0x3c: {  	p2 =	seq.s32 s10, $0x1;
	s10 =	sld [smem:$0x3FB8]  }
0x3d: {  	_ =	shalt  }
0x3e: {  	_ =	shalt  }
0x3f: {  	_ =	shalt  }
0x40: {  	_ =	shalt  }
0x41: {  	_ =	shalt  }
0x42: {  	_ =	shalt  }
0x43: {  	_ =	shalt  }
0x44: {  	_ =	shalt  }
0x45: {  	_ =	shalt  }
0x46: {  	_ =	shalt  }
0x47: {  	_ =	shalt  }
0x48: {  	_ =	shalt  }
0x49: {  	_ =	shalt  }
0x4a: {  	_ =	shalt  }
0x4b: {  	_ =	shalt  }
0x4c: {  	_ =	shalt  }
0x4d: {  	_ =	shalt  }
0x4e: {  	_ =	shalt  }
0x4f: {  	_ =	shalt  }
0x50: {  	_ =	shalt  }
0x51: {  	_ =	shalt  }
0x52: {  	_ =	shalt  }
0x53: {  	_ =	shalt  }
0x54: {  	_ =	shalt  }
0x55: {  	_ =	shalt  }
0x56: {  	_ =	shalt  }
0x57: {  	_ =	shalt  }
0x58: {  	_ =	shalt  }
0x59: {  	_ =	shalt  }
0x5a: {  	_ =	shalt  }
0x5b: {  	_ =	shalt  }
0x5c: {  	_ =	shalt  }
0x5d: {  	_ =	shalt  }
0x5e: {  	_ =	shalt  }
0x5f: {  	_ =	shalt  }
0x60: {  	_ =	shalt  }
0x61: {  	_ =	shalt  }
0x62: {  	_ =	shalt  }
0x63: {  	_ =	shalt  }
0x64: {  	_ =	shalt  }
0x65: {  	_ =	shalt  }
0x66: {  	_ =	shalt  }
0x67: {  	_ =	shalt  }
0x68: {  	_ =	shalt  }
0x69: {  	_ =	shalt  }
0x6a: {  	_ =	shalt  }
0x6b: {  	_ =	shalt  }
0x6c: {  	_ =	shalt  }
0x6d: {  	_ =	shalt  }
0x6e: {  	_ =	shalt  }
0x6f: {  	_ =	shalt  }
0x70: {  	_ =	shalt  }
0x71: {  	_ =	shalt  }
0x72: {  	_ =	shalt  }
0x73: {  	_ =	shalt  }
0x74: {  	_ =	shalt  }
0x75: {  	_ =	shalt  }
0x76: {  	_ =	shalt  }
0x77: {  	_ =	shalt  }
0x78: {  	_ =	shalt  }
0x79: {  	_ =	shalt  }
0x7a: {  	_ =	shalt  }
0x7b: {  	_ =	shalt  }
0x7c: {  	_ =	shalt  }
0x7d: {  	_ =	shalt  }
0x7e: {  	_ =	shalt  }
0x7f: {  	_ =	shalt  }
0x80: {  	_ =	shalt  }
0x81: {  	_ =	shalt  }
0x82: {  	_ =	shalt  }
0x83: {  	_ =	shalt  }
0x84: {  	_ =	shalt  }
0x85: {  	_ =	shalt  }
0x86: {  	_ =	shalt  }
0x87: {  	_ =	shalt  }
.Lfunc_end0:
.L_simem_size_0:
called_computation_lowered:
.L_overlay_start_0:
0x88: {  	s2 =	sld [smem:$0x3FD9]  }
0x89: {  	s3 =	sld [smem:$0x3FFE];
	_ =	sdelay $0x1  }
0x8a: {  	s1 =	srdreg.scid  }
0x8b: {  	s0 =	sand.u32 $0x1, s1  }
0x8c: {  	s18 =	sshll.u32 s0, $0xA;
	s2 =	sadd.s32 s3, s2  }
0x8d: {  	s2 =	sadd.s32 s2, s18  }
0x8e: {  	[smem:$0x3FC4] =	sst s2  }
0x8f: {  	_ = 	snop  }
0x90: {  	s2 =	sld [smem:$0x3FC9]  }
0x91: {  	s19 =	sld [smem:$0x3FC8]  }
0x92: {  	s4 =	sld [smem:$0x3FD0];
	(tm) =	ssettm $0x1  }
0x93: {  	s5 =	sld [smem:$0x3FFB];
	_ =	sdelay $0x3  }
0x94: {  	_ =	strace s5  }
0x95: {  	s5 =	sld [smem:$0x3FFC];
	_ =	sdelay $0x3  }
0x96: {  	_ =	strace s5  }
0x97: {  	s5 =	sld [smem:$0x3FFD];
	_ =	sdelay $0x3  }
0x98: {  	_ =	strace s5  }
0x99: {  	_ =	strace $0x8FFFFFFF  }
0x9a: {  	s20 =	sld [smem:$0x3FDB];
	_ =	sdelay $0x1  }
0x9b: {  	s6 =	simm.s32 $_scs_section_size  }
0x9c: {  	s7 =	simm.s32 $_size__tile_overlayer_lowered;
	s8 =	simm.s32 $_tile_overlayer_lowered  }
0x9d: {  	s23 =	simm.s32 $0x1BFF;
	s22 =	sshll.u32 s8, $0x1;
	s5 =	sadd.s32 s6, s20  }
0x9e: {  	s9 =	simm.s32 $0x0;
	s21 =	sshll.u32 s7, $0x1;
	s7 =	sadd.s32 s22, s5  }
0x9f: {  	[timem:s9], [sflag:s23] =	dma.local [hbm:s7], s21  }
0xa0: {  	_ =	swait.ge [sflag:s23], s21  }
0xa1: {  	s6 =	ssub.s32 $0x0, s21;
	[sflag:s23] =	ssyncset.done $0x0  }
0xa2: {  	[sflag:s23] =	ssyncadd.s32 s6;
	_ =	sdelay $0x1  }
0xa3: {  	s24 =	simm.s32 $0x1B8B  }
0xa4: {  	_ =	swait.ge [sflag:s24], $0x1  }
0xa5: {  	[sflag:s24] =	ssyncset.done $0x0  }
0xa6: {  	s25 =	simm.s32 $0x1B8E;
	[sflag:s24] =	ssyncadd.s32 $0xFFFFFFFF  }
0xa7: {  	s26 =	simm.s32 $execute0_lowered;
	[smem:$0x3FD2] =	sst s25  }
0xa8: {  	s6 =	sshll.u32 s26, $0x1;
	_ =	strace $0x80000046;
	[dreg:$0x1] =	wrdreg $0xFFFFFFFF  }
0xa9: {  	s28 =	simm.s32 $_size_execute0_lowered;
	s5 =	sadd.s32 s5, s6;
	[dreg:$0x0] =	wrdreg $0x0  }
0xaa: {  	s6 =	sshll.u32 s28, $0x1;
	[dreg:$0x2] =	wrdreg s5  }
0xab: {  	[dreg:$0x3] =	wrdreg s6  }
0xac: {  	[dreg:$0x4] =	wrdreg $0xC0  }
0xad: {  	_ =	task [dreg:s9], $0x5FFFF  }
0xae: {  	[dreg:$0x1] =	wrdreg $0xFFFFFFFF  }
0xaf: {  	[dreg:$0x0] =	wrdreg $0x60  }
0xb0: {  	[dreg:$0x2] =	wrdreg s2  }
0xb1: {  	[dreg:$0x3] =	wrdreg s19  }
0xb2: {  	[dreg:$0x4] =	wrdreg s4  }
0xb3: {  	[dreg:$0x5] =	wrdreg $0x9  }
0xb4: {  	_ =	task.clear_ibuf [dreg:s9], $0x6FFFF;
	_ =	strace $0x90000046  }
0xb5: {  	s29 =	simm.s32 $0x9;
	_ =	strace $0x80000048  }
0xb6: {  	_ =	swait.ge [sflag:s29], $0x1  }
0xb7: {  	[sflag:s29] =	ssyncadd.s32 $0xFFFFFFFF  }
0xb8: {  	_ =	strace $0x90000048  }
0xb9: {  	_ =	sfence  }
0xba: {  	s30 =	sld [smem:$0x0];
	_ =	sdelay $0x2  }
0xbb: {  	s31 =	sshll.u32 s1, $0xD;
	s1 =	sshrl.u32 s1, $0x2  }
0xbc: {  	s3 =	sand.u32 $0x4000, s31;
	s1 =	sadd.s32 s1, s30  }
0xbd: {  	s0 =	sor.u32 s3, s0;
	s1 =	sshll.u32 s1, $0x11  }
0xbe: {  	s0 =	sor.u32 s1, s0  }
0xbf: {  	s0 =	sadd.s32 $0x8F2B, s0  }
0xc0: {  	[sflag:s0] =	ssyncadd.remote.s32 $0x1  }
0xc1: {  	_ =	sfence.sel $0xFFFF  }
0xc2: {  	[dreg:$0x0] =	wrdreg $0xFFFFFFFF;
	(pc) =	sbr.abs _section_cstart, $3  }
0xc3: {  	[dreg:$0x1] =	wrdreg $0xFFFFFFFF  }
0xc4: {  	_ =	task.clear_ibuf [dreg:s9], $0x2FFFF;
	_ =	strace $0x9FFFFFFF  }
0xc5: {  	(tm) =	ssettm $0x7FFFFFFF  }
tec
execute0_lowered:
.L_overlay_start_1:
0x0: {  	(tag) =	ssettag $0x1  }
0x1: {  	s4 =	rddreg [dreg:$0x0]  }
0x2: {  	s2 =	rddreg [dreg:$0x1];
	s1 =	srdreg.scid  }
0x3: {  	s0 =	stileid.u32;
	s14 =	rddreg [dreg:$0x2];
	s7 =	simm.s32 $0x6  }
0x4: {  	s22 =	sand.u32 $0x1, s1;
	s3 =	sshll.u32 s0, $0x1;
	s1 =	rddreg [dreg:$0x3]  }
0x5: {  	s5 =	sshll.u32 s0, $0x2;
	s15 =	sor.u32 s22, s3;
	s3 =	simm.s32 $0x0  }
0x6: {  	s5 =	sand.u32 $0x30, s5;
	s6 =	sshll.u32 s15, $0x8;
	[smem:$0x7FF] =	sst s3  }
0x7: {  	s4 =	sadd.s32 s4, s5;
	s5 =	simm.s32 $0x80;
	s6 =	sand.u32 $0x700, s6  }
0x8: {  	_ =	strace $0x80000047;
	s4 =	sadd.s32 s6, s4;
	s6 =	simm.s32 $0x200  }
0x9: {  	[tilespmem:s3], [sflag:$0x6] =	stream.strided.gather [hbm4b:s4+s5], $0x200, s6, s5, $0x38;
	[tilespmem:$0x10200] =	vst v63  }
0xa: {  	_ =	swait.ge [sflag:s7], $0x200  }
0xb: {  	[sflag:s7] =	ssyncset.done $0x0  }
0xc: {  	[sflag:s7] =	ssyncadd.s32 $0xFFFFFE00  }
0xd: {  	[tilespmem:s6], [sflag:$0x1] =	stream.indirect.gather [hbm4b:s2+s5], $0x80, s3, s5, $0xb8;
	[tilespmem:$0x10200] =	vst v63  }
0xe: {  	s8 =	simm.s32 $0x4200  }
0xf: {  	[tilespmem:s8], [sflag:$0x2] =	stream.indirect.gather [hbm4b:s2+s5], $0x80, s5, s5, $0xb8;
	[tilespmem:$0x10200] =	vst v63  }
0x10: {  	s9 =	simm.s32 $0x100;
	s10 =	simm.s32 $0x8200  }
0x11: {  	[tilespmem:s10], [sflag:$0x3] =	stream.indirect.gather [hbm4b:s2+s5], $0x80, s9, s5, $0xb8;
	[tilespmem:$0x10200] =	vst v63  }
0x12: {  	s11 =	simm.s32 $0x180;
	s12 =	simm.s32 $0xC200;
	s13 =	simm.s32 $0x1  }
0x13: {  	[tilespmem:s12], [sflag:$0x4] =	stream.indirect.gather [hbm4b:s2+s5], $0x80, s11, s5, $0xb8;
	[tilespmem:$0x10200] =	vst v63  }
0x14: {  	_ =	swait.ge [sflag:s13], $0x4000  }
0x15: {  	s15 =	sshll.u32 s15, $0xD;
	[sflag:s13] =	ssyncset.done $0x0  }
0x16: {  	s14 =	sadd.s32 s14, s15;
	s15 =	simm.s32 $0x2;
	[sflag:s13] =	ssyncadd.s32 $0xFFFFC000  }
0x17: {  	[hbm4b:s14+s3] =	stream.linear.scatter [tilespmem:s6], [sflag:$0x5], $0x4000, $0x38;
	[tilespmem:$0x10200] =	vst v63  }
0x18: {  	_ =	swait.ge [sflag:s15], $0x4000  }
0x19: {  	[sflag:s15] =	ssyncset.done $0x0  }
0x1a: {  	s17 =	simm.s32 $0x3;
	s16 =	sadd.s32 $0x800, s14;
	[sflag:s15] =	ssyncadd.s32 $0xFFFFC000  }
0x1b: {  	[hbm4b:s16+s3] =	stream.linear.scatter [tilespmem:s8], [sflag:$0x5], $0x4000, $0x38;
	[tilespmem:$0x10200] =	vst v63  }
0x1c: {  	_ =	swait.ge [sflag:s17], $0x4000  }
0x1d: {  	[sflag:s17] =	ssyncset.done $0x0  }
0x1e: {  	s19 =	simm.s32 $0x4;
	s18 =	sadd.s32 $0x1000, s14;
	[sflag:s17] =	ssyncadd.s32 $0xFFFFC000  }
0x1f: {  	[hbm4b:s18+s3] =	stream.linear.scatter [tilespmem:s10], [sflag:$0x5], $0x4000, $0x38;
	[tilespmem:$0x10200] =	vst v63  }
0x20: {  	_ =	swait.ge [sflag:s19], $0x4000  }
0x21: {  	[sflag:s19] =	ssyncset.done $0x0  }
0x22: {  	s20 =	simm.s32 $0x5;
	s21 =	sadd.s32 $0x1800, s14;
	[sflag:s19] =	ssyncadd.s32 $0xFFFFC000  }
0x23: {  	[hbm4b:s21+s3] =	stream.linear.scatter [tilespmem:s12], [sflag:$0x5], $0x4000, $0x38;
	[tilespmem:$0x10200] =	vst v63  }
0x24: {  	_ =	swait.ge [sflag:s20], $0x4000  }
0x25: {  	s22 =	ssub.s32 $0x2, s22;
	[sflag:s20] =	ssyncset.done $0x0  }
0x26: {  	s23 =	sshrl.u32 s22, $0x1;
	[sflag:s20] =	ssyncadd.s32 $0xFFFFC000  }
0x27: {  	s22 =	ssub.s32 s22, s23;
	_ =	swait.ge [sflag:s20], $0x4000  }
0x28: {  	s22 =	smax.u32 s22, $0x1;
	[sflag:s20] =	ssyncset.done $0x0  }
0x29: {  	p0 =	sne.s32 s22, $0x1;
	[sflag:s20] =	ssyncadd.s32 $0xFFFFC000  }
.Ltmp0:
0x2a: {  	_ =	swait.ge [sflag:s20], $0x4000;
	(pc) =	sbr.rel @!p0 .LBB2_2-.Ltmp0, $4  }
0x2b: {  	[sflag:s20] =	ssyncset.done $0x0  }
0x2c: {  	[sflag:s20] =	ssyncadd.s32 $0xFFFFC000  }
0x2d: {  	_ =	swait.ge [sflag:s20], $0x4000  }
0x2e: {  	s22 =	sadd.s32 $0xFFFFFFFF, s22;
	[sflag:s20] =	ssyncset.done $0x0  }
.LBB2_1:
0x2f: {  	p0 =	sne.s32 s22, $0x1;
	s22 =	sadd.s32 $0xFFFFFFFF, s22;
	[sflag:s20] =	ssyncadd.s32 $0xFFFFC000  }
0x30: {  	[tilespmem:s3], [sflag:$0x6] =	stream.strided.gather [hbm4b:s4+s5], $0x200, s6, s5, $0x38;
	[tilespmem:$0x10200] =	vst v63  }
0x31: {  	_ =	swait.ge [sflag:s7], $0x200  }
0x32: {  	[sflag:s7] =	ssyncset.done $0x0  }
0x33: {  	[sflag:s7] =	ssyncadd.s32 $0xFFFFFE00  }
0x34: {  	[tilespmem:s6], [sflag:$0x1] =	stream.indirect.gather [hbm4b:s2+s5], $0x80, s3, s5, $0xb8;
	[tilespmem:$0x10200] =	vst v63  }
0x35: {  	_ = 	snop  }
0x36: {  	[tilespmem:s8], [sflag:$0x2] =	stream.indirect.gather [hbm4b:s2+s5], $0x80, s5, s5, $0xb8;
	[tilespmem:$0x10200] =	vst v63  }
0x37: {  	_ = 	snop  }
0x38: {  	[tilespmem:s10], [sflag:$0x3] =	stream.indirect.gather [hbm4b:s2+s5], $0x80, s9, s5, $0xb8;
	[tilespmem:$0x10200] =	vst v63  }
0x39: {  	_ = 	snop  }
0x3a: {  	[tilespmem:s12], [sflag:$0x4] =	stream.indirect.gather [hbm4b:s2+s5], $0x80, s11, s5, $0xb8;
	[tilespmem:$0x10200] =	vst v63  }
0x3b: {  	_ =	swait.ge [sflag:s13], $0x4000  }
0x3c: {  	[sflag:s13] =	ssyncset.done $0x0  }
0x3d: {  	[sflag:s13] =	ssyncadd.s32 $0xFFFFC000  }
0x3e: {  	[hbm4b:s14+s3] =	stream.linear.scatter [tilespmem:s6], [sflag:$0x5], $0x4000, $0x38;
	[tilespmem:$0x10200] =	vst v63  }
0x3f: {  	_ =	swait.ge [sflag:s15], $0x4000  }
0x40: {  	[sflag:s15] =	ssyncset.done $0x0  }
0x41: {  	[sflag:s15] =	ssyncadd.s32 $0xFFFFC000  }
0x42: {  	[hbm4b:s16+s3] =	stream.linear.scatter [tilespmem:s8], [sflag:$0x5], $0x4000, $0x38;
	[tilespmem:$0x10200] =	vst v63  }
0x43: {  	_ =	swait.ge [sflag:s17], $0x4000  }
0x44: {  	[sflag:s17] =	ssyncset.done $0x0  }
0x45: {  	[sflag:s17] =	ssyncadd.s32 $0xFFFFC000  }
0x46: {  	[hbm4b:s18+s3] =	stream.linear.scatter [tilespmem:s10], [sflag:$0x5], $0x4000, $0x38;
	[tilespmem:$0x10200] =	vst v63  }
0x47: {  	_ =	swait.ge [sflag:s19], $0x4000  }
0x48: {  	[sflag:s19] =	ssyncset.done $0x0  }
0x49: {  	[sflag:s19] =	ssyncadd.s32 $0xFFFFC000  }
0x4a: {  	[hbm4b:s21+s3] =	stream.linear.scatter [tilespmem:s12], [sflag:$0x5], $0x4000, $0x38;
	[tilespmem:$0x10200] =	vst v63  }
0x4b: {  	_ =	swait.ge [sflag:s20], $0x4000  }
0x4c: {  	[sflag:s20] =	ssyncset.done $0x0  }
0x4d: {  	[sflag:s20] =	ssyncadd.s32 $0xFFFFC000  }
0x4e: {  	_ =	swait.ge [sflag:s20], $0x4000  }
0x4f: {  	[sflag:s20] =	ssyncset.done $0x0  }
0x50: {  	[sflag:s20] =	ssyncadd.s32 $0xFFFFC000  }
.Ltmp1:
0x51: {  	_ =	swait.ge [sflag:s20], $0x4000;
	(pc) =	sbr.rel @p0 .LBB2_1-.Ltmp1, $4  }
0x52: {  	[sflag:s20] =	ssyncset.done $0x0  }
0x53: {  	[sflag:s20] =	ssyncadd.s32 $0xFFFFC000  }
0x54: {  	_ =	swait.ge [sflag:s20], $0x4000  }
0x55: {  	[sflag:s20] =	ssyncset.done $0x0  }
.LBB2_2:
0x56: {  	[sflag:s20] =	ssyncadd.s32 $0xFFFFC000  }
0x57: {  	_ =	sfence.sel $0x180000  }
0x58: {  	[bflag:$0x0] =	sbarrier.arrive $0xFFFF  }
0x59: {  	p0 =	sne.s32 s0, $0x0;
	_ =	strace $0x90000047  }
0x5a: {  	s0 =	sadd.s32 @!p0 $0x100000, s1;
	[bflag:$0x2] =	sbarrier.arrive $0xFFFF  }
0x5b: {  	[sflag:s0] =	ssyncadd.tile.s32 @!p0 $0x1;
	_ =	shalt  }
.Lfunc_end2:
_tile_overlayer_lowered:
.L_overlay_start_2:
0x5c: {  	(tag) =	ssettag $0x2  }
0x5d: {  	s0 =	rddreg [dreg:$0x0];
	s2 =	stileid.u32  }
0x5e: {  	s1 =	rddreg [dreg:$0x1];
	p0 =	sne.s32 s2, $0x0  }
0x5f: {  	s3 =	rddreg [dreg:$0x2];
	[bflag:$0x3] =	sbarrier.arrive $0xFFFF;
	s2 =	simm.s32 @!p0 $0x1C06  }
0x60: {  	[timem:s3], [sflag:s2] =	dma.local @!p0 [hbm:s0], s1  }
0x61: {  	s0 =	simm.s32 @!p0 $0x6  }
0x62: {  	_ =	swait.ge @!p0 [sflag:s0], s1  }
0x63: {  	s1 =	ssub.s32 @!p0 $0x0, s1;
	[sflag:s0] =	ssyncset.done @!p0 $0x0  }
0x64: {  	[sflag:s0] =	ssyncadd.s32 @!p0 s1  }
0x65: {  	[bflag:$0x3] =	sbarrier.arrive $0xFFFF  }
0x66: {  	_ =	shalt  }

</sc_bundles>
